<compile_context>
chip_gen: v7x
topology: tpu7x:2x2x1
jax: 0.10.2.dev20260603
libtpu: 0.0.44.dev20260713+nightly
codegen_flags: <defaults>
</compile_context>

<pallas_src>
import functools

import numpy as np
import jax
import jax.numpy as jnp
from jax import lax
from jax.experimental import pallas as pl
from jax.experimental.pallas import tpu as pltpu
from jax.experimental.pallas import tpu_sc as plsc

_B, _L, _D = 16, 8192, 128
_ROWS = _B * _L
_NW = 32
_RPW = _ROWS // _NW
_CHUNK = 128
_NCH = _RPW // _CHUNK


def _flat_indices() -> np.ndarray:
    mseq = np.arange(_L)
    out = np.empty((_B, _L), dtype=np.int32)
    for i in range(_B):
        np.random.seed(i)
        out[i] = np.random.permutation(mseq) + i * _L
    return out.reshape(_NW * _NCH, _CHUNK)


_IDX = _flat_indices()

_mesh = plsc.VectorSubcoreMesh(core_axis_name="c", subcore_axis_name="s")


_UROWS = 128
_SPU = _UROWS // _CHUNK
_NSLOT = 4
_NU = _RPW // _UROWS
_NG = _NU // _NSLOT


@functools.partial(
    pl.kernel,
    out_type=jax.ShapeDtypeStruct((_ROWS, _D), jnp.float32),
    mesh=_mesh,
    scratch_types=[
        pltpu.VMEM((_NCH, _CHUNK), jnp.int32),
        pltpu.VMEM((_NSLOT, _UROWS, _D), jnp.float32),
        pltpu.SemaphoreType.DMA,
        pltpu.SemaphoreType.DMA,
        pltpu.SemaphoreType.DMA,
        pltpu.SemaphoreType.DMA,
        pltpu.SemaphoreType.DMA,
        pltpu.SemaphoreType.DMA,
        pltpu.SemaphoreType.DMA,
        pltpu.SemaphoreType.DMA,
    ],
)
def _interleave(x_hbm, idx_hbm, out_hbm, idx_v, buf,
                g0, g1, g2, g3, w0, w1, w2, w3):
    wid = lax.axis_index("c") * 16 + lax.axis_index("s")
    pltpu.sync_copy(idx_hbm.at[pl.ds(wid * _NCH, _NCH)], idx_v)
    base = wid * _RPW
    gsem = (g0, g1, g2, g3)
    wsem = (w0, w1, w2, w3)

    def start_gathers(u, r):
        for s in range(_SPU):
            pltpu.async_copy(
                x_hbm.at[idx_v.at[u * _SPU + s]],
                buf.at[r, pl.ds(s * _CHUNK, _CHUNK)],
                gsem[r],
            )

    def drain_gathers(r):
        pltpu.make_async_copy(x_hbm.at[pl.ds(0, _UROWS)], buf.at[r], gsem[r]).wait()

    def start_write(u, r):
        pltpu.async_copy(buf.at[r], out_hbm.at[pl.ds(base + u * _UROWS, _UROWS)], wsem[r])

    def drain_write(r):
        pltpu.make_async_copy(buf.at[r], out_hbm.at[pl.ds(0, _UROWS)], wsem[r]).wait()

    @pl.loop(0, _NG)
    def _grp(g):
        for r in range(_NSLOT):
            @pl.when(g > 0)
            def _(r=r):
                drain_write(r)

            start_gathers(g * _NSLOT + r, r)
        for r in range(_NSLOT):
            drain_gathers(r)
            start_write(g * _NSLOT + r, r)

    for r in range(_NSLOT):
        drain_write(r)


def kernel(x):
    b, L, d = x.shape
    flat = _interleave(x.reshape(_ROWS, _D), jnp.asarray(_IDX))
    return flat.reshape(b, L, d)

# --- scband reference (transcript-rebuilt; emitter-appended) ---
"""Pipeline reference for scband-pseudo-random-interleaver-3667902070959 (READ-ONLY COPY).

The authoritative reference and input builder live on the scoring server;
editing this copy changes nothing except your own understanding.
"""

import jax, jax.numpy as jnp
import numpy as np

BATCH, L_CONST, DIM = 16, 8192, 128


def _perms(batch, L):
    # Faithful replication of the original: np.random.seed(i) then np.random.permutation
    mseq = np.arange(L)
    ps = []
    for i in range(batch):
        np.random.seed(i)
        ps.append(np.random.permutation(mseq))
    return jnp.asarray(np.stack(ps, axis=0))


def setup_inputs(seed: int = 0) -> dict:
    key = jax.random.key(seed)
    x = jax.random.normal(key, (BATCH, L_CONST, DIM), dtype=jnp.float32)
    return {"x": x}


def reference(x):
    b, L, d = x.shape
    perms = _perms(b, L)  # int array [b, L], constant per-row permutations
    # Equivalent to per-row tf.gather(x[i], mshuf_i) stacked over the batch
    return jnp.take_along_axis(x, perms[:, :, None], axis=1)

if __name__ == "__main__":
    import jax
    _d = setup_inputs()
    print(jax.jit(kernel)(*tuple(_d.values())))

</pallas_src>

<mosaic_0001>
#map = affine_map<(d0, d1) -> (0, 0)>
module attributes {stable_mosaic.version = 14 : i64} {
  func.func @_interleave(%arg0: i32, %arg1: i32, %arg2: memref<131072x128xf32, #tpu.memory_space<hbm>>, %arg3: memref<1024x128xi32, #tpu.memory_space<hbm>>, %arg4: memref<131072x128xf32, #tpu.memory_space<hbm>>, %arg5: memref<32x128xi32, #tpu.memory_space<vmem>>, %arg6: memref<4x128x128xf32, #tpu.memory_space<vmem>>, %arg7: memref<!tpu.dma_semaphore, #tpu.memory_space<semaphore_mem>>, %arg8: memref<!tpu.dma_semaphore, #tpu.memory_space<semaphore_mem>>, %arg9: memref<!tpu.dma_semaphore, #tpu.memory_space<semaphore_mem>>, %arg10: memref<!tpu.dma_semaphore, #tpu.memory_space<semaphore_mem>>, %arg11: memref<!tpu.dma_semaphore, #tpu.memory_space<semaphore_mem>>, %arg12: memref<!tpu.dma_semaphore, #tpu.memory_space<semaphore_mem>>, %arg13: memref<!tpu.dma_semaphore, #tpu.memory_space<semaphore_mem>>, %arg14: memref<!tpu.dma_semaphore, #tpu.memory_space<semaphore_mem>>) attributes {dimension_semantics = [#tpu.dimension_semantics<core_parallel>, #tpu.dimension_semantics<subcore_parallel>], iteration_bounds = array<i64: 2, 16>, scalar_prefetch = 0 : i64, scratch_operands = 10 : i64, tpu.core_type = #tpu.core_type<sc_vector_subcore>, window_params = [{transform_indices = #map}, {transform_indices = #map}, {transform_indices = #map}]} {
    %mul3A = arith.constant 16 : i32
    %mul3A_0 = arith.muli %arg0, %mul3A : i32
    %add3A = arith.addi %mul3A_0, %arg1 : i32
    %mul3A_1 = arith.constant 32 : i32
    %mul3A_2 = arith.muli %add3A, %mul3A_1 : i32
    "tpu.region"() ({
      %run_scoped3A = tpu.sem_alloc : memref<!tpu.dma_semaphore, #tpu.memory_space<semaphore_mem>>
      %dma_start3A = arith.constant 0 : i32
      %dma_start3A_68 = tpu.memref_slice %arg3[%mul3A_2, %dma_start3A] : memref<1024x128xi32, #tpu.memory_space<hbm>> -> memref<32x128xi32, #tpu.memory_space<hbm>>
      %dma_start3A_69 = arith.constant 0 : i32
      %dma_start3A_70 = tpu.memref_slice %arg3[%mul3A_2, %dma_start3A_69] : memref<1024x128xi32, #tpu.memory_space<hbm>> -> memref<32x128xi32, #tpu.memory_space<hbm>>
      tpu.enqueue_dma source(%dma_start3A_70 : memref<32x128xi32, #tpu.memory_space<hbm>>) target(%arg5 : memref<32x128xi32, #tpu.memory_space<vmem>>) target_semaphore(%run_scoped3A : memref<!tpu.dma_semaphore, #tpu.memory_space<semaphore_mem>>)
      %dma_wait3A_71 = arith.constant 0 : i32
      %dma_wait3A_72 = tpu.memref_slice %arg3[%mul3A_2, %dma_wait3A_71] : memref<1024x128xi32, #tpu.memory_space<hbm>> -> memref<32x128xi32, #tpu.memory_space<hbm>>
      %dma_wait3A_73 = arith.constant 0 : i32
      %dma_wait3A_74 = tpu.memref_slice %arg3[%mul3A_2, %dma_wait3A_73] : memref<1024x128xi32, #tpu.memory_space<hbm>> -> memref<32x128xi32, #tpu.memory_space<hbm>>
      tpu.wait_dma2 semaphore(%run_scoped3A : memref<!tpu.dma_semaphore, #tpu.memory_space<semaphore_mem>>) src(%dma_wait3A_74 : memref<32x128xi32, #tpu.memory_space<hbm>>) dst(%arg5 : memref<32x128xi32, #tpu.memory_space<vmem>>)
      tpu.yield
    }) : () -> ()
    %mul3A_3 = arith.constant 4096 : i32
    %mul3A_4 = arith.muli %add3A, %mul3A_3 : i32
    %scan3A = arith.constant 0 : i32
    %scan3A_5 = arith.constant 8 : i32
    %scan3A_6 = arith.addi %scan3A, %scan3A_5 : i32
    %scan3A_7 = arith.constant 1 : i32
    scf.for %scan3A_68 = %scan3A to %scan3A_6 step %scan3A_7  : i32 {
      %mul3A_69 = arith.constant 1 : i32
      %mul3A_70 = arith.muli %scan3A_68, %mul3A_69 : i32
      %add3A_71 = arith.constant 0 : i32
      %add3A_72 = arith.addi %add3A_71, %mul3A_70 : i32
      %gt3A = arith.constant 0 : i32
      %gt3A_73 = arith.cmpi sgt, %add3A_72, %gt3A : i32
      %convert_element_type3A = arith.extui %gt3A_73 : i1 to i32
      %cond3A = arith.constant 0 : i32
      %cond3A_74 = arith.cmpi ne, %convert_element_type3A, %cond3A : i32
      scf.if %cond3A_74 {
        %dma_wait3A_305 = arith.constant 0 : i32
        %dma_wait3A_306 = arith.constant 0 : i32
        %dma_wait3A_307 = arith.constant 0 : i32
        %dma_wait3A_308 = tpu.memref_slice %arg6[%dma_wait3A_305, %dma_wait3A_306, %dma_wait3A_307] : memref<4x128x128xf32, #tpu.memory_space<vmem>> -> memref<1x128x128xf32, #tpu.memory_space<vmem>>
        %dma_wait3A_309 = tpu.memref_squeeze %dma_wait3A_308 : memref<1x128x128xf32, #tpu.memory_space<vmem>> -> memref<128x128xf32, #tpu.memory_space<vmem>>
        %dma_wait3A_310 = arith.constant 0 : i32
        %dma_wait3A_311 = arith.constant 0 : i32
        %dma_wait3A_312 = tpu.memref_slice %arg4[%dma_wait3A_310, %dma_wait3A_311] : memref<131072x128xf32, #tpu.memory_space<hbm>> -> memref<128x128xf32, #tpu.memory_space<hbm>>
        %dma_wait3A_313 = arith.constant 0 : i32
        %dma_wait3A_314 = arith.constant 0 : i32
        %dma_wait3A_315 = tpu.memref_slice %arg4[%dma_wait3A_313, %dma_wait3A_314] : memref<131072x128xf32, #tpu.memory_space<hbm>> -> memref<128x128xf32, #tpu.memory_space<hbm>>
        %dma_wait3A_316 = arith.constant 0 : i32
        %dma_wait3A_317 = arith.constant 0 : i32
        %dma_wait3A_318 = tpu.memref_slice %arg6[%dma_wait3A_305, %dma_wait3A_316, %dma_wait3A_317] : memref<4x128x128xf32, #tpu.memory_space<vmem>> -> memref<1x128x128xf32, #tpu.memory_space<vmem>>
        %dma_wait3A_319 = tpu.memref_squeeze %dma_wait3A_318 : memref<1x128x128xf32, #tpu.memory_space<vmem>> -> memref<128x128xf32, #tpu.memory_space<vmem>>
        tpu.wait_dma2 semaphore(%arg11 : memref<!tpu.dma_semaphore, #tpu.memory_space<semaphore_mem>>) src(%dma_wait3A_319 : memref<128x128xf32, #tpu.memory_space<vmem>>) dst(%dma_wait3A_315 : memref<128x128xf32, #tpu.memory_space<hbm>>)
      } else {
      }
      %mul3A_75 = arith.constant 4 : i32
      %mul3A_76 = arith.muli %add3A_72, %mul3A_75 : i32
      %add3A_77 = arith.constant 0 : i32
      %add3A_78 = arith.addi %mul3A_76, %add3A_77 : i32
      %mul3A_79 = arith.constant 1 : i32
      %mul3A_80 = arith.muli %add3A_78, %mul3A_79 : i32
      %add3A_81 = arith.constant 0 : i32
      %add3A_82 = arith.addi %mul3A_80, %add3A_81 : i32
      %dma_start3A = arith.constant 0 : i32
      %dma_start3A_83 = arith.constant 0 : i32
      %dma_start3A_84 = arith.constant 0 : i32
      %dma_start3A_85 = tpu.memref_slice %arg6[%dma_start3A, %dma_start3A_83, %dma_start3A_84] : memref<4x128x128xf32, #tpu.memory_space<vmem>> -> memref<1x128x128xf32, #tpu.memory_space<vmem>>
      %dma_start3A_86 = tpu.memref_squeeze %dma_start3A_85 : memref<1x128x128xf32, #tpu.memory_space<vmem>> -> memref<128x128xf32, #tpu.memory_space<vmem>>
      %dma_start3A_87 = arith.constant 0 : i32
      %dma_start3A_88 = tpu.memref_slice %arg5[%add3A_82, %dma_start3A_87] : memref<32x128xi32, #tpu.memory_space<vmem>> -> memref<1x128xi32, #tpu.memory_space<vmem>>
      %dma_start3A_89 = tpu.memref_squeeze %dma_start3A_88 : memref<1x128xi32, #tpu.memory_space<vmem>> -> memref<128xi32, #tpu.memory_space<vmem>>
      %dma_start3A_90 = arith.constant 0 : i32
      %dma_start3A_91 = arith.constant 0 : i32
      %dma_start3A_92 = tpu.memref_slice %arg2[%dma_start3A_90, %dma_start3A_91] : memref<131072x128xf32, #tpu.memory_space<hbm>> -> memref<131072x128xf32, #tpu.memory_space<hbm>>
      tpu.enqueue_indirect_dma source(%dma_start3A_92 : memref<131072x128xf32, #tpu.memory_space<hbm>>) target(%dma_start3A_86 : memref<128x128xf32, #tpu.memory_space<vmem>>) offsets(%dma_start3A_89 : memref<128xi32, #tpu.memory_space<vmem>>) semaphore(%arg7 : memref<!tpu.dma_semaphore, #tpu.memory_space<semaphore_mem>>)
      %gt3A_93 = arith.constant 0 : i32
      %gt3A_94 = arith.cmpi sgt, %add3A_72, %gt3A_93 : i32
      %convert_element_type3A_95 = arith.extui %gt3A_94 : i1 to i32
      %cond3A_96 = arith.constant 0 : i32
      %cond3A_97 = arith.cmpi ne, %convert_element_type3A_95, %cond3A_96 : i32
      scf.if %cond3A_97 {
        %dma_wait3A_305 = arith.constant 1 : i32
        %dma_wait3A_306 = arith.constant 0 : i32
        %dma_wait3A_307 = arith.constant 0 : i32
        %dma_wait3A_308 = tpu.memref_slice %arg6[%dma_wait3A_305, %dma_wait3A_306, %dma_wait3A_307] : memref<4x128x128xf32, #tpu.memory_space<vmem>> -> memref<1x128x128xf32, #tpu.memory_space<vmem>>
        %dma_wait3A_309 = tpu.memref_squeeze %dma_wait3A_308 : memref<1x128x128xf32, #tpu.memory_space<vmem>> -> memref<128x128xf32, #tpu.memory_space<vmem>>
        %dma_wait3A_310 = arith.constant 0 : i32
        %dma_wait3A_311 = arith.constant 0 : i32
        %dma_wait3A_312 = tpu.memref_slice %arg4[%dma_wait3A_310, %dma_wait3A_311] : memref<131072x128xf32, #tpu.memory_space<hbm>> -> memref<128x128xf32, #tpu.memory_space<hbm>>
        %dma_wait3A_313 = arith.constant 0 : i32
        %dma_wait3A_314 = arith.constant 0 : i32
        %dma_wait3A_315 = tpu.memref_slice %arg4[%dma_wait3A_313, %dma_wait3A_314] : memref<131072x128xf32, #tpu.memory_space<hbm>> -> memref<128x128xf32, #tpu.memory_space<hbm>>
        %dma_wait3A_316 = arith.constant 0 : i32
        %dma_wait3A_317 = arith.constant 0 : i32
        %dma_wait3A_318 = tpu.memref_slice %arg6[%dma_wait3A_305, %dma_wait3A_316, %dma_wait3A_317] : memref<4x128x128xf32, #tpu.memory_space<vmem>> -> memref<1x128x128xf32, #tpu.memory_space<vmem>>
        %dma_wait3A_319 = tpu.memref_squeeze %dma_wait3A_318 : memref<1x128x128xf32, #tpu.memory_space<vmem>> -> memref<128x128xf32, #tpu.memory_space<vmem>>
        tpu.wait_dma2 semaphore(%arg12 : memref<!tpu.dma_semaphore, #tpu.memory_space<semaphore_mem>>) src(%dma_wait3A_319 : memref<128x128xf32, #tpu.memory_space<vmem>>) dst(%dma_wait3A_315 : memref<128x128xf32, #tpu.memory_space<hbm>>)
      } else {
      }
      %mul3A_98 = arith.constant 4 : i32
      %mul3A_99 = arith.muli %add3A_72, %mul3A_98 : i32
      %add3A_100 = arith.constant 1 : i32
      %add3A_101 = arith.addi %mul3A_99, %add3A_100 : i32
      %mul3A_102 = arith.constant 1 : i32
      %mul3A_103 = arith.muli %add3A_101, %mul3A_102 : i32
      %add3A_104 = arith.constant 0 : i32
      %add3A_105 = arith.addi %mul3A_103, %add3A_104 : i32
      %dma_start3A_106 = arith.constant 1 : i32
      %dma_start3A_107 = arith.constant 0 : i32
      %dma_start3A_108 = arith.constant 0 : i32
      %dma_start3A_109 = tpu.memref_slice %arg6[%dma_start3A_106, %dma_start3A_107, %dma_start3A_108] : memref<4x128x128xf32, #tpu.memory_space<vmem>> -> memref<1x128x128xf32, #tpu.memory_space<vmem>>
      %dma_start3A_110 = tpu.memref_squeeze %dma_start3A_109 : memref<1x128x128xf32, #tpu.memory_space<vmem>> -> memref<128x128xf32, #tpu.memory_space<vmem>>
      %dma_start3A_111 = arith.constant 0 : i32
      %dma_start3A_112 = tpu.memref_slice %arg5[%add3A_105, %dma_start3A_111] : memref<32x128xi32, #tpu.memory_space<vmem>> -> memref<1x128xi32, #tpu.memory_space<vmem>>
      %dma_start3A_113 = tpu.memref_squeeze %dma_start3A_112 : memref<1x128xi32, #tpu.memory_space<vmem>> -> memref<128xi32, #tpu.memory_space<vmem>>
      %dma_start3A_114 = arith.constant 0 : i32
      %dma_start3A_115 = arith.constant 0 : i32
      %dma_start3A_116 = tpu.memref_slice %arg2[%dma_start3A_114, %dma_start3A_115] : memref<131072x128xf32, #tpu.memory_space<hbm>> -> memref<131072x128xf32, #tpu.memory_space<hbm>>
      tpu.enqueue_indirect_dma source(%dma_start3A_116 : memref<131072x128xf32, #tpu.memory_space<hbm>>) target(%dma_start3A_110 : memref<128x128xf32, #tpu.memory_space<vmem>>) offsets(%dma_start3A_113 : memref<128xi32, #tpu.memory_space<vmem>>) semaphore(%arg8 : memref<!tpu.dma_semaphore, #tpu.memory_space<semaphore_mem>>)
      %gt3A_117 = arith.constant 0 : i32
      %gt3A_118 = arith.cmpi sgt, %add3A_72, %gt3A_117 : i32
      %convert_element_type3A_119 = arith.extui %gt3A_118 : i1 to i32
      %cond3A_120 = arith.constant 0 : i32
      %cond3A_121 = arith.cmpi ne, %convert_element_type3A_119, %cond3A_120 : i32
      scf.if %cond3A_121 {
        %dma_wait3A_305 = arith.constant 2 : i32
        %dma_wait3A_306 = arith.constant 0 : i32
        %dma_wait3A_307 = arith.constant 0 : i32
        %dma_wait3A_308 = tpu.memref_slice %arg6[%dma_wait3A_305, %dma_wait3A_306, %dma_wait3A_307] : memref<4x128x128xf32, #tpu.memory_space<vmem>> -> memref<1x128x128xf32, #tpu.memory_space<vmem>>
        %dma_wait3A_309 = tpu.memref_squeeze %dma_wait3A_308 : memref<1x128x128xf32, #tpu.memory_space<vmem>> -> memref<128x128xf32, #tpu.memory_space<vmem>>
        %dma_wait3A_310 = arith.constant 0 : i32
        %dma_wait3A_311 = arith.constant 0 : i32
        %dma_wait3A_312 = tpu.memref_slice %arg4[%dma_wait3A_310, %dma_wait3A_311] : memref<131072x128xf32, #tpu.memory_space<hbm>> -> memref<128x128xf32, #tpu.memory_space<hbm>>
        %dma_wait3A_313 = arith.constant 0 : i32
        %dma_wait3A_314 = arith.constant 0 : i32
        %dma_wait3A_315 = tpu.memref_slice %arg4[%dma_wait3A_313, %dma_wait3A_314] : memref<131072x128xf32, #tpu.memory_space<hbm>> -> memref<128x128xf32, #tpu.memory_space<hbm>>
        %dma_wait3A_316 = arith.constant 0 : i32
        %dma_wait3A_317 = arith.constant 0 : i32
        %dma_wait3A_318 = tpu.memref_slice %arg6[%dma_wait3A_305, %dma_wait3A_316, %dma_wait3A_317] : memref<4x128x128xf32, #tpu.memory_space<vmem>> -> memref<1x128x128xf32, #tpu.memory_space<vmem>>
        %dma_wait3A_319 = tpu.memref_squeeze %dma_wait3A_318 : memref<1x128x128xf32, #tpu.memory_space<vmem>> -> memref<128x128xf32, #tpu.memory_space<vmem>>
        tpu.wait_dma2 semaphore(%arg13 : memref<!tpu.dma_semaphore, #tpu.memory_space<semaphore_mem>>) src(%dma_wait3A_319 : memref<128x128xf32, #tpu.memory_space<vmem>>) dst(%dma_wait3A_315 : memref<128x128xf32, #tpu.memory_space<hbm>>)
      } else {
      }
      %mul3A_122 = arith.constant 4 : i32
      %mul3A_123 = arith.muli %add3A_72, %mul3A_122 : i32
      %add3A_124 = arith.constant 2 : i32
      %add3A_125 = arith.addi %mul3A_123, %add3A_124 : i32
      %mul3A_126 = arith.constant 1 : i32
      %mul3A_127 = arith.muli %add3A_125, %mul3A_126 : i32
      %add3A_128 = arith.constant 0 : i32
      %add3A_129 = arith.addi %mul3A_127, %add3A_128 : i32
      %dma_start3A_130 = arith.constant 2 : i32
      %dma_start3A_131 = arith.constant 0 : i32
      %dma_start3A_132 = arith.constant 0 : i32
      %dma_start3A_133 = tpu.memref_slice %arg6[%dma_start3A_130, %dma_start3A_131, %dma_start3A_132] : memref<4x128x128xf32, #tpu.memory_space<vmem>> -> memref<1x128x128xf32, #tpu.memory_space<vmem>>
      %dma_start3A_134 = tpu.memref_squeeze %dma_start3A_133 : memref<1x128x128xf32, #tpu.memory_space<vmem>> -> memref<128x128xf32, #tpu.memory_space<vmem>>
      %dma_start3A_135 = arith.constant 0 : i32
      %dma_start3A_136 = tpu.memref_slice %arg5[%add3A_129, %dma_start3A_135] : memref<32x128xi32, #tpu.memory_space<vmem>> -> memref<1x128xi32, #tpu.memory_space<vmem>>
      %dma_start3A_137 = tpu.memref_squeeze %dma_start3A_136 : memref<1x128xi32, #tpu.memory_space<vmem>> -> memref<128xi32, #tpu.memory_space<vmem>>
      %dma_start3A_138 = arith.constant 0 : i32
      %dma_start3A_139 = arith.constant 0 : i32
      %dma_start3A_140 = tpu.memref_slice %arg2[%dma_start3A_138, %dma_start3A_139] : memref<131072x128xf32, #tpu.memory_space<hbm>> -> memref<131072x128xf32, #tpu.memory_space<hbm>>
      tpu.enqueue_indirect_dma source(%dma_start3A_140 : memref<131072x128xf32, #tpu.memory_space<hbm>>) target(%dma_start3A_134 : memref<128x128xf32, #tpu.memory_space<vmem>>) offsets(%dma_start3A_137 : memref<128xi32, #tpu.memory_space<vmem>>) semaphore(%arg9 : memref<!tpu.dma_semaphore, #tpu.memory_space<semaphore_mem>>)
      %gt3A_141 = arith.constant 0 : i32
      %gt3A_142 = arith.cmpi sgt, %add3A_72, %gt3A_141 : i32
      %convert_element_type3A_143 = arith.extui %gt3A_142 : i1 to i32
      %cond3A_144 = arith.constant 0 : i32
      %cond3A_145 = arith.cmpi ne, %convert_element_type3A_143, %cond3A_144 : i32
      scf.if %cond3A_145 {
        %dma_wait3A_305 = arith.constant 3 : i32
        %dma_wait3A_306 = arith.constant 0 : i32
        %dma_wait3A_307 = arith.constant 0 : i32
        %dma_wait3A_308 = tpu.memref_slice %arg6[%dma_wait3A_305, %dma_wait3A_306, %dma_wait3A_307] : memref<4x128x128xf32, #tpu.memory_space<vmem>> -> memref<1x128x128xf32, #tpu.memory_space<vmem>>
        %dma_wait3A_309 = tpu.memref_squeeze %dma_wait3A_308 : memref<1x128x128xf32, #tpu.memory_space<vmem>> -> memref<128x128xf32, #tpu.memory_space<vmem>>
        %dma_wait3A_310 = arith.constant 0 : i32
        %dma_wait3A_311 = arith.constant 0 : i32
        %dma_wait3A_312 = tpu.memref_slice %arg4[%dma_wait3A_310, %dma_wait3A_311] : memref<131072x128xf32, #tpu.memory_space<hbm>> -> memref<128x128xf32, #tpu.memory_space<hbm>>
        %dma_wait3A_313 = arith.constant 0 : i32
        %dma_wait3A_314 = arith.constant 0 : i32
        %dma_wait3A_315 = tpu.memref_slice %arg4[%dma_wait3A_313, %dma_wait3A_314] : memref<131072x128xf32, #tpu.memory_space<hbm>> -> memref<128x128xf32, #tpu.memory_space<hbm>>
        %dma_wait3A_316 = arith.constant 0 : i32
        %dma_wait3A_317 = arith.constant 0 : i32
        %dma_wait3A_318 = tpu.memref_slice %arg6[%dma_wait3A_305, %dma_wait3A_316, %dma_wait3A_317] : memref<4x128x128xf32, #tpu.memory_space<vmem>> -> memref<1x128x128xf32, #tpu.memory_space<vmem>>
        %dma_wait3A_319 = tpu.memref_squeeze %dma_wait3A_318 : memref<1x128x128xf32, #tpu.memory_space<vmem>> -> memref<128x128xf32, #tpu.memory_space<vmem>>
        tpu.wait_dma2 semaphore(%arg14 : memref<!tpu.dma_semaphore, #tpu.memory_space<semaphore_mem>>) src(%dma_wait3A_319 : memref<128x128xf32, #tpu.memory_space<vmem>>) dst(%dma_wait3A_315 : memref<128x128xf32, #tpu.memory_space<hbm>>)
      } else {
      }
      %mul3A_146 = arith.constant 4 : i32
      %mul3A_147 = arith.muli %add3A_72, %mul3A_146 : i32
      %add3A_148 = arith.constant 3 : i32
      %add3A_149 = arith.addi %mul3A_147, %add3A_148 : i32
      %mul3A_150 = arith.constant 1 : i32
      %mul3A_151 = arith.muli %add3A_149, %mul3A_150 : i32
      %add3A_152 = arith.constant 0 : i32
      %add3A_153 = arith.addi %mul3A_151, %add3A_152 : i32
      %dma_start3A_154 = arith.constant 3 : i32
      %dma_start3A_155 = arith.constant 0 : i32
      %dma_start3A_156 = arith.constant 0 : i32
      %dma_start3A_157 = tpu.memref_slice %arg6[%dma_start3A_154, %dma_start3A_155, %dma_start3A_156] : memref<4x128x128xf32, #tpu.memory_space<vmem>> -> memref<1x128x128xf32, #tpu.memory_space<vmem>>
      %dma_start3A_158 = tpu.memref_squeeze %dma_start3A_157 : memref<1x128x128xf32, #tpu.memory_space<vmem>> -> memref<128x128xf32, #tpu.memory_space<vmem>>
      %dma_start3A_159 = arith.constant 0 : i32
      %dma_start3A_160 = tpu.memref_slice %arg5[%add3A_153, %dma_start3A_159] : memref<32x128xi32, #tpu.memory_space<vmem>> -> memref<1x128xi32, #tpu.memory_space<vmem>>
      %dma_start3A_161 = tpu.memref_squeeze %dma_start3A_160 : memref<1x128xi32, #tpu.memory_space<vmem>> -> memref<128xi32, #tpu.memory_space<vmem>>
      %dma_start3A_162 = arith.constant 0 : i32
      %dma_start3A_163 = arith.constant 0 : i32
      %dma_start3A_164 = tpu.memref_slice %arg2[%dma_start3A_162, %dma_start3A_163] : memref<131072x128xf32, #tpu.memory_space<hbm>> -> memref<131072x128xf32, #tpu.memory_space<hbm>>
      tpu.enqueue_indirect_dma source(%dma_start3A_164 : memref<131072x128xf32, #tpu.memory_space<hbm>>) target(%dma_start3A_158 : memref<128x128xf32, #tpu.memory_space<vmem>>) offsets(%dma_start3A_161 : memref<128xi32, #tpu.memory_space<vmem>>) semaphore(%arg10 : memref<!tpu.dma_semaphore, #tpu.memory_space<semaphore_mem>>)
      %dma_wait3A_165 = arith.constant 0 : i32
      %dma_wait3A_166 = arith.constant 0 : i32
      %dma_wait3A_167 = arith.constant 0 : i32
      %dma_wait3A_168 = tpu.memref_slice %arg6[%dma_wait3A_165, %dma_wait3A_166, %dma_wait3A_167] : memref<4x128x128xf32, #tpu.memory_space<vmem>> -> memref<1x128x128xf32, #tpu.memory_space<vmem>>
      %dma_wait3A_169 = tpu.memref_squeeze %dma_wait3A_168 : memref<1x128x128xf32, #tpu.memory_space<vmem>> -> memref<128x128xf32, #tpu.memory_space<vmem>>
      %dma_wait3A_170 = arith.constant 0 : i32
      %dma_wait3A_171 = arith.constant 0 : i32
      %dma_wait3A_172 = tpu.memref_slice %arg2[%dma_wait3A_170, %dma_wait3A_171] : memref<131072x128xf32, #tpu.memory_space<hbm>> -> memref<128x128xf32, #tpu.memory_space<hbm>>
      %dma_wait3A_173 = arith.constant 0 : i32
      %dma_wait3A_174 = arith.constant 0 : i32
      %dma_wait3A_175 = tpu.memref_slice %arg6[%dma_wait3A_165, %dma_wait3A_173, %dma_wait3A_174] : memref<4x128x128xf32, #tpu.memory_space<vmem>> -> memref<1x128x128xf32, #tpu.memory_space<vmem>>
      %dma_wait3A_176 = tpu.memref_squeeze %dma_wait3A_175 : memref<1x128x128xf32, #tpu.memory_space<vmem>> -> memref<128x128xf32, #tpu.memory_space<vmem>>
      %dma_wait3A_177 = arith.constant 0 : i32
      %dma_wait3A_178 = arith.constant 0 : i32
      %dma_wait3A_179 = tpu.memref_slice %arg2[%dma_wait3A_177, %dma_wait3A_178] : memref<131072x128xf32, #tpu.memory_space<hbm>> -> memref<128x128xf32, #tpu.memory_space<hbm>>
      tpu.wait_dma2 semaphore(%arg7 : memref<!tpu.dma_semaphore, #tpu.memory_space<semaphore_mem>>) src(%dma_wait3A_179 : memref<128x128xf32, #tpu.memory_space<hbm>>) dst(%dma_wait3A_176 : memref<128x128xf32, #tpu.memory_space<vmem>>)
      %mul3A_180 = arith.constant 4 : i32
      %mul3A_181 = arith.muli %add3A_72, %mul3A_180 : i32
      %add3A_182 = arith.constant 0 : i32
      %add3A_183 = arith.addi %mul3A_181, %add3A_182 : i32
      %mul3A_184 = arith.constant 128 : i32
      %mul3A_185 = arith.muli %add3A_183, %mul3A_184 : i32
      %add3A_186 = arith.addi %mul3A_4, %mul3A_185 : i32
      %dma_start3A_187 = arith.constant 0 : i32
      %dma_start3A_188 = arith.constant 0 : i32
      %dma_start3A_189 = arith.constant 0 : i32
      %dma_start3A_190 = tpu.memref_slice %arg6[%dma_start3A_187, %dma_start3A_188, %dma_start3A_189] : memref<4x128x128xf32, #tpu.memory_space<vmem>> -> memref<1x128x128xf32, #tpu.memory_space<vmem>>
      %dma_start3A_191 = tpu.memref_squeeze %dma_start3A_190 : memref<1x128x128xf32, #tpu.memory_space<vmem>> -> memref<128x128xf32, #tpu.memory_space<vmem>>
      %dma_start3A_192 = arith.constant 0 : i32
      %dma_start3A_193 = tpu.memref_slice %arg4[%add3A_186, %dma_start3A_192] : memref<131072x128xf32, #tpu.memory_space<hbm>> -> memref<128x128xf32, #tpu.memory_space<hbm>>
      %dma_start3A_194 = arith.constant 0 : i32
      %dma_start3A_195 = tpu.memref_slice %arg4[%add3A_186, %dma_start3A_194] : memref<131072x128xf32, #tpu.memory_space<hbm>> -> memref<128x128xf32, #tpu.memory_space<hbm>>
      %dma_start3A_196 = arith.constant 0 : i32
      %dma_start3A_197 = arith.constant 0 : i32
      %dma_start3A_198 = tpu.memref_slice %arg6[%dma_start3A_187, %dma_start3A_196, %dma_start3A_197] : memref<4x128x128xf32, #tpu.memory_space<vmem>> -> memref<1x128x128xf32, #tpu.memory_space<vmem>>
      %dma_start3A_199 = tpu.memref_squeeze %dma_start3A_198 : memref<1x128x128xf32, #tpu.memory_space<vmem>> -> memref<128x128xf32, #tpu.memory_space<vmem>>
      tpu.enqueue_dma source(%dma_start3A_199 : memref<128x128xf32, #tpu.memory_space<vmem>>) target(%dma_start3A_195 : memref<128x128xf32, #tpu.memory_space<hbm>>) target_semaphore(%arg11 : memref<!tpu.dma_semaphore, #tpu.memory_space<semaphore_mem>>)
      %dma_wait3A_200 = arith.constant 1 : i32
      %dma_wait3A_201 = arith.constant 0 : i32
      %dma_wait3A_202 = arith.constant 0 : i32
      %dma_wait3A_203 = tpu.memref_slice %arg6[%dma_wait3A_200, %dma_wait3A_201, %dma_wait3A_202] : memref<4x128x128xf32, #tpu.memory_space<vmem>> -> memref<1x128x128xf32, #tpu.memory_space<vmem>>
      %dma_wait3A_204 = tpu.memref_squeeze %dma_wait3A_203 : memref<1x128x128xf32, #tpu.memory_space<vmem>> -> memref<128x128xf32, #tpu.memory_space<vmem>>
      %dma_wait3A_205 = arith.constant 0 : i32
      %dma_wait3A_206 = arith.constant 0 : i32
      %dma_wait3A_207 = tpu.memref_slice %arg2[%dma_wait3A_205, %dma_wait3A_206] : memref<131072x128xf32, #tpu.memory_space<hbm>> -> memref<128x128xf32, #tpu.memory_space<hbm>>
      %dma_wait3A_208 = arith.constant 0 : i32
      %dma_wait3A_209 = arith.constant 0 : i32
      %dma_wait3A_210 = tpu.memref_slice %arg6[%dma_wait3A_200, %dma_wait3A_208, %dma_wait3A_209] : memref<4x128x128xf32, #tpu.memory_space<vmem>> -> memref<1x128x128xf32, #tpu.memory_space<vmem>>
      %dma_wait3A_211 = tpu.memref_squeeze %dma_wait3A_210 : memref<1x128x128xf32, #tpu.memory_space<vmem>> -> memref<128x128xf32, #tpu.memory_space<vmem>>
      %dma_wait3A_212 = arith.constant 0 : i32
      %dma_wait3A_213 = arith.constant 0 : i32
      %dma_wait3A_214 = tpu.memref_slice %arg2[%dma_wait3A_212, %dma_wait3A_213] : memref<131072x128xf32, #tpu.memory_space<hbm>> -> memref<128x128xf32, #tpu.memory_space<hbm>>
      tpu.wait_dma2 semaphore(%arg8 : memref<!tpu.dma_semaphore, #tpu.memory_space<semaphore_mem>>) src(%dma_wait3A_214 : memref<128x128xf32, #tpu.memory_space<hbm>>) dst(%dma_wait3A_211 : memref<128x128xf32, #tpu.memory_space<vmem>>)
      %mul3A_215 = arith.constant 4 : i32
      %mul3A_216 = arith.muli %add3A_72, %mul3A_215 : i32
      %add3A_217 = arith.constant 1 : i32
      %add3A_218 = arith.addi %mul3A_216, %add3A_217 : i32
      %mul3A_219 = arith.constant 128 : i32
      %mul3A_220 = arith.muli %add3A_218, %mul3A_219 : i32
      %add3A_221 = arith.addi %mul3A_4, %mul3A_220 : i32
      %dma_start3A_222 = arith.constant 1 : i32
      %dma_start3A_223 = arith.constant 0 : i32
      %dma_start3A_224 = arith.constant 0 : i32
      %dma_start3A_225 = tpu.memref_slice %arg6[%dma_start3A_222, %dma_start3A_223, %dma_start3A_224] : memref<4x128x128xf32, #tpu.memory_space<vmem>> -> memref<1x128x128xf32, #tpu.memory_space<vmem>>
      %dma_start3A_226 = tpu.memref_squeeze %dma_start3A_225 : memref<1x128x128xf32, #tpu.memory_space<vmem>> -> memref<128x128xf32, #tpu.memory_space<vmem>>
      %dma_start3A_227 = arith.constant 0 : i32
      %dma_start3A_228 = tpu.memref_slice %arg4[%add3A_221, %dma_start3A_227] : memref<131072x128xf32, #tpu.memory_space<hbm>> -> memref<128x128xf32, #tpu.memory_space<hbm>>
      %dma_start3A_229 = arith.constant 0 : i32
      %dma_start3A_230 = tpu.memref_slice %arg4[%add3A_221, %dma_start3A_229] : memref<131072x128xf32, #tpu.memory_space<hbm>> -> memref<128x128xf32, #tpu.memory_space<hbm>>
      %dma_start3A_231 = arith.constant 0 : i32
      %dma_start3A_232 = arith.constant 0 : i32
      %dma_start3A_233 = tpu.memref_slice %arg6[%dma_start3A_222, %dma_start3A_231, %dma_start3A_232] : memref<4x128x128xf32, #tpu.memory_space<vmem>> -> memref<1x128x128xf32, #tpu.memory_space<vmem>>
      %dma_start3A_234 = tpu.memref_squeeze %dma_start3A_233 : memref<1x128x128xf32, #tpu.memory_space<vmem>> -> memref<128x128xf32, #tpu.memory_space<vmem>>
      tpu.enqueue_dma source(%dma_start3A_234 : memref<128x128xf32, #tpu.memory_space<vmem>>) target(%dma_start3A_230 : memref<128x128xf32, #tpu.memory_space<hbm>>) target_semaphore(%arg12 : memref<!tpu.dma_semaphore, #tpu.memory_space<semaphore_mem>>)
      %dma_wait3A_235 = arith.constant 2 : i32
      %dma_wait3A_236 = arith.constant 0 : i32
      %dma_wait3A_237 = arith.constant 0 : i32
      %dma_wait3A_238 = tpu.memref_slice %arg6[%dma_wait3A_235, %dma_wait3A_236, %dma_wait3A_237] : memref<4x128x128xf32, #tpu.memory_space<vmem>> -> memref<1x128x128xf32, #tpu.memory_space<vmem>>
      %dma_wait3A_239 = tpu.memref_squeeze %dma_wait3A_238 : memref<1x128x128xf32, #tpu.memory_space<vmem>> -> memref<128x128xf32, #tpu.memory_space<vmem>>
      %dma_wait3A_240 = arith.constant 0 : i32
      %dma_wait3A_241 = arith.constant 0 : i32
      %dma_wait3A_242 = tpu.memref_slice %arg2[%dma_wait3A_240, %dma_wait3A_241] : memref<131072x128xf32, #tpu.memory_space<hbm>> -> memref<128x128xf32, #tpu.memory_space<hbm>>
      %dma_wait3A_243 = arith.constant 0 : i32
      %dma_wait3A_244 = arith.constant 0 : i32
      %dma_wait3A_245 = tpu.memref_slice %arg6[%dma_wait3A_235, %dma_wait3A_243, %dma_wait3A_244] : memref<4x128x128xf32, #tpu.memory_space<vmem>> -> memref<1x128x128xf32, #tpu.memory_space<vmem>>
      %dma_wait3A_246 = tpu.memref_squeeze %dma_wait3A_245 : memref<1x128x128xf32, #tpu.memory_space<vmem>> -> memref<128x128xf32, #tpu.memory_space<vmem>>
      %dma_wait3A_247 = arith.constant 0 : i32
      %dma_wait3A_248 = arith.constant 0 : i32
      %dma_wait3A_249 = tpu.memref_slice %arg2[%dma_wait3A_247, %dma_wait3A_248] : memref<131072x128xf32, #tpu.memory_space<hbm>> -> memref<128x128xf32, #tpu.memory_space<hbm>>
      tpu.wait_dma2 semaphore(%arg9 : memref<!tpu.dma_semaphore, #tpu.memory_space<semaphore_mem>>) src(%dma_wait3A_249 : memref<128x128xf32, #tpu.memory_space<hbm>>) dst(%dma_wait3A_246 : memref<128x128xf32, #tpu.memory_space<vmem>>)
      %mul3A_250 = arith.constant 4 : i32
      %mul3A_251 = arith.muli %add3A_72, %mul3A_250 : i32
      %add3A_252 = arith.constant 2 : i32
      %add3A_253 = arith.addi %mul3A_251, %add3A_252 : i32
      %mul3A_254 = arith.constant 128 : i32
      %mul3A_255 = arith.muli %add3A_253, %mul3A_254 : i32
      %add3A_256 = arith.addi %mul3A_4, %mul3A_255 : i32
      %dma_start3A_257 = arith.constant 2 : i32
      %dma_start3A_258 = arith.constant 0 : i32
      %dma_start3A_259 = arith.constant 0 : i32
      %dma_start3A_260 = tpu.memref_slice %arg6[%dma_start3A_257, %dma_start3A_258, %dma_start3A_259] : memref<4x128x128xf32, #tpu.memory_space<vmem>> -> memref<1x128x128xf32, #tpu.memory_space<vmem>>
      %dma_start3A_261 = tpu.memref_squeeze %dma_start3A_260 : memref<1x128x128xf32, #tpu.memory_space<vmem>> -> memref<128x128xf32, #tpu.memory_space<vmem>>
      %dma_start3A_262 = arith.constant 0 : i32
      %dma_start3A_263 = tpu.memref_slice %arg4[%add3A_256, %dma_start3A_262] : memref<131072x128xf32, #tpu.memory_space<hbm>> -> memref<128x128xf32, #tpu.memory_space<hbm>>
      %dma_start3A_264 = arith.constant 0 : i32
      %dma_start3A_265 = tpu.memref_slice %arg4[%add3A_256, %dma_start3A_264] : memref<131072x128xf32, #tpu.memory_space<hbm>> -> memref<128x128xf32, #tpu.memory_space<hbm>>
      %dma_start3A_266 = arith.constant 0 : i32
      %dma_start3A_267 = arith.constant 0 : i32
      %dma_start3A_268 = tpu.memref_slice %arg6[%dma_start3A_257, %dma_start3A_266, %dma_start3A_267] : memref<4x128x128xf32, #tpu.memory_space<vmem>> -> memref<1x128x128xf32, #tpu.memory_space<vmem>>
      %dma_start3A_269 = tpu.memref_squeeze %dma_start3A_268 : memref<1x128x128xf32, #tpu.memory_space<vmem>> -> memref<128x128xf32, #tpu.memory_space<vmem>>
      tpu.enqueue_dma source(%dma_start3A_269 : memref<128x128xf32, #tpu.memory_space<vmem>>) target(%dma_start3A_265 : memref<128x128xf32, #tpu.memory_space<hbm>>) target_semaphore(%arg13 : memref<!tpu.dma_semaphore, #tpu.memory_space<semaphore_mem>>)
      %dma_wait3A_270 = arith.constant 3 : i32
      %dma_wait3A_271 = arith.constant 0 : i32
      %dma_wait3A_272 = arith.constant 0 : i32
      %dma_wait3A_273 = tpu.memref_slice %arg6[%dma_wait3A_270, %dma_wait3A_271, %dma_wait3A_272] : memref<4x128x128xf32, #tpu.memory_space<vmem>> -> memref<1x128x128xf32, #tpu.memory_space<vmem>>
      %dma_wait3A_274 = tpu.memref_squeeze %dma_wait3A_273 : memref<1x128x128xf32, #tpu.memory_space<vmem>> -> memref<128x128xf32, #tpu.memory_space<vmem>>
      %dma_wait3A_275 = arith.constant 0 : i32
      %dma_wait3A_276 = arith.constant 0 : i32
      %dma_wait3A_277 = tpu.memref_slice %arg2[%dma_wait3A_275, %dma_wait3A_276] : memref<131072x128xf32, #tpu.memory_space<hbm>> -> memref<128x128xf32, #tpu.memory_space<hbm>>
      %dma_wait3A_278 = arith.constant 0 : i32
      %dma_wait3A_279 = arith.constant 0 : i32
      %dma_wait3A_280 = tpu.memref_slice %arg6[%dma_wait3A_270, %dma_wait3A_278, %dma_wait3A_279] : memref<4x128x128xf32, #tpu.memory_space<vmem>> -> memref<1x128x128xf32, #tpu.memory_space<vmem>>
      %dma_wait3A_281 = tpu.memref_squeeze %dma_wait3A_280 : memref<1x128x128xf32, #tpu.memory_space<vmem>> -> memref<128x128xf32, #tpu.memory_space<vmem>>
      %dma_wait3A_282 = arith.constant 0 : i32
      %dma_wait3A_283 = arith.constant 0 : i32
      %dma_wait3A_284 = tpu.memref_slice %arg2[%dma_wait3A_282, %dma_wait3A_283] : memref<131072x128xf32, #tpu.memory_space<hbm>> -> memref<128x128xf32, #tpu.memory_space<hbm>>
      tpu.wait_dma2 semaphore(%arg10 : memref<!tpu.dma_semaphore, #tpu.memory_space<semaphore_mem>>) src(%dma_wait3A_284 : memref<128x128xf32, #tpu.memory_space<hbm>>) dst(%dma_wait3A_281 : memref<128x128xf32, #tpu.memory_space<vmem>>)
      %mul3A_285 = arith.constant 4 : i32
      %mul3A_286 = arith.muli %add3A_72, %mul3A_285 : i32
      %add3A_287 = arith.constant 3 : i32
      %add3A_288 = arith.addi %mul3A_286, %add3A_287 : i32
      %mul3A_289 = arith.constant 128 : i32
      %mul3A_290 = arith.muli %add3A_288, %mul3A_289 : i32
      %add3A_291 = arith.addi %mul3A_4, %mul3A_290 : i32
      %dma_start3A_292 = arith.constant 3 : i32
      %dma_start3A_293 = arith.constant 0 : i32
      %dma_start3A_294 = arith.constant 0 : i32
      %dma_start3A_295 = tpu.memref_slice %arg6[%dma_start3A_292, %dma_start3A_293, %dma_start3A_294] : memref<4x128x128xf32, #tpu.memory_space<vmem>> -> memref<1x128x128xf32, #tpu.memory_space<vmem>>
      %dma_start3A_296 = tpu.memref_squeeze %dma_start3A_295 : memref<1x128x128xf32, #tpu.memory_space<vmem>> -> memref<128x128xf32, #tpu.memory_space<vmem>>
      %dma_start3A_297 = arith.constant 0 : i32
      %dma_start3A_298 = tpu.memref_slice %arg4[%add3A_291, %dma_start3A_297] : memref<131072x128xf32, #tpu.memory_space<hbm>> -> memref<128x128xf32, #tpu.memory_space<hbm>>
      %dma_start3A_299 = arith.constant 0 : i32
      %dma_start3A_300 = tpu.memref_slice %arg4[%add3A_291, %dma_start3A_299] : memref<131072x128xf32, #tpu.memory_space<hbm>> -> memref<128x128xf32, #tpu.memory_space<hbm>>
      %dma_start3A_301 = arith.constant 0 : i32
      %dma_start3A_302 = arith.constant 0 : i32
      %dma_start3A_303 = tpu.memref_slice %arg6[%dma_start3A_292, %dma_start3A_301, %dma_start3A_302] : memref<4x128x128xf32, #tpu.memory_space<vmem>> -> memref<1x128x128xf32, #tpu.memory_space<vmem>>
      %dma_start3A_304 = tpu.memref_squeeze %dma_start3A_303 : memref<1x128x128xf32, #tpu.memory_space<vmem>> -> memref<128x128xf32, #tpu.memory_space<vmem>>
      tpu.enqueue_dma source(%dma_start3A_304 : memref<128x128xf32, #tpu.memory_space<vmem>>) target(%dma_start3A_300 : memref<128x128xf32, #tpu.memory_space<hbm>>) target_semaphore(%arg14 : memref<!tpu.dma_semaphore, #tpu.memory_space<semaphore_mem>>)
    }
    %scan3A_8 = arith.constant 8 : i32
    %dma_wait3A = arith.constant 0 : i32
    %dma_wait3A_9 = arith.constant 0 : i32
    %dma_wait3A_10 = arith.constant 0 : i32
    %dma_wait3A_11 = tpu.memref_slice %arg6[%dma_wait3A, %dma_wait3A_9, %dma_wait3A_10] : memref<4x128x128xf32, #tpu.memory_space<vmem>> -> memref<1x128x128xf32, #tpu.memory_space<vmem>>
    %dma_wait3A_12 = tpu.memref_squeeze %dma_wait3A_11 : memref<1x128x128xf32, #tpu.memory_space<vmem>> -> memref<128x128xf32, #tpu.memory_space<vmem>>
    %dma_wait3A_13 = arith.constant 0 : i32
    %dma_wait3A_14 = arith.constant 0 : i32
    %dma_wait3A_15 = tpu.memref_slice %arg4[%dma_wait3A_13, %dma_wait3A_14] : memref<131072x128xf32, #tpu.memory_space<hbm>> -> memref<128x128xf32, #tpu.memory_space<hbm>>
    %dma_wait3A_16 = arith.constant 0 : i32
    %dma_wait3A_17 = arith.constant 0 : i32
    %dma_wait3A_18 = tpu.memref_slice %arg4[%dma_wait3A_16, %dma_wait3A_17] : memref<131072x128xf32, #tpu.memory_space<hbm>> -> memref<128x128xf32, #tpu.memory_space<hbm>>
    %dma_wait3A_19 = arith.constant 0 : i32
    %dma_wait3A_20 = arith.constant 0 : i32
    %dma_wait3A_21 = tpu.memref_slice %arg6[%dma_wait3A, %dma_wait3A_19, %dma_wait3A_20] : memref<4x128x128xf32, #tpu.memory_space<vmem>> -> memref<1x128x128xf32, #tpu.memory_space<vmem>>
    %dma_wait3A_22 = tpu.memref_squeeze %dma_wait3A_21 : memref<1x128x128xf32, #tpu.memory_space<vmem>> -> memref<128x128xf32, #tpu.memory_space<vmem>>
    tpu.wait_dma2 semaphore(%arg11 : memref<!tpu.dma_semaphore, #tpu.memory_space<semaphore_mem>>) src(%dma_wait3A_22 : memref<128x128xf32, #tpu.memory_space<vmem>>) dst(%dma_wait3A_18 : memref<128x128xf32, #tpu.memory_space<hbm>>)
    %dma_wait3A_23 = arith.constant 1 : i32
    %dma_wait3A_24 = arith.constant 0 : i32
    %dma_wait3A_25 = arith.constant 0 : i32
    %dma_wait3A_26 = tpu.memref_slice %arg6[%dma_wait3A_23, %dma_wait3A_24, %dma_wait3A_25] : memref<4x128x128xf32, #tpu.memory_space<vmem>> -> memref<1x128x128xf32, #tpu.memory_space<vmem>>
    %dma_wait3A_27 = tpu.memref_squeeze %dma_wait3A_26 : memref<1x128x128xf32, #tpu.memory_space<vmem>> -> memref<128x128xf32, #tpu.memory_space<vmem>>
    %dma_wait3A_28 = arith.constant 0 : i32
    %dma_wait3A_29 = arith.constant 0 : i32
    %dma_wait3A_30 = tpu.memref_slice %arg4[%dma_wait3A_28, %dma_wait3A_29] : memref<131072x128xf32, #tpu.memory_space<hbm>> -> memref<128x128xf32, #tpu.memory_space<hbm>>
    %dma_wait3A_31 = arith.constant 0 : i32
    %dma_wait3A_32 = arith.constant 0 : i32
    %dma_wait3A_33 = tpu.memref_slice %arg4[%dma_wait3A_31, %dma_wait3A_32] : memref<131072x128xf32, #tpu.memory_space<hbm>> -> memref<128x128xf32, #tpu.memory_space<hbm>>
    %dma_wait3A_34 = arith.constant 0 : i32
    %dma_wait3A_35 = arith.constant 0 : i32
    %dma_wait3A_36 = tpu.memref_slice %arg6[%dma_wait3A_23, %dma_wait3A_34, %dma_wait3A_35] : memref<4x128x128xf32, #tpu.memory_space<vmem>> -> memref<1x128x128xf32, #tpu.memory_space<vmem>>
    %dma_wait3A_37 = tpu.memref_squeeze %dma_wait3A_36 : memref<1x128x128xf32, #tpu.memory_space<vmem>> -> memref<128x128xf32, #tpu.memory_space<vmem>>
    tpu.wait_dma2 semaphore(%arg12 : memref<!tpu.dma_semaphore, #tpu.memory_space<semaphore_mem>>) src(%dma_wait3A_37 : memref<128x128xf32, #tpu.memory_space<vmem>>) dst(%dma_wait3A_33 : memref<128x128xf32, #tpu.memory_space<hbm>>)
    %dma_wait3A_38 = arith.constant 2 : i32
    %dma_wait3A_39 = arith.constant 0 : i32
    %dma_wait3A_40 = arith.constant 0 : i32
    %dma_wait3A_41 = tpu.memref_slice %arg6[%dma_wait3A_38, %dma_wait3A_39, %dma_wait3A_40] : memref<4x128x128xf32, #tpu.memory_space<vmem>> -> memref<1x128x128xf32, #tpu.memory_space<vmem>>
    %dma_wait3A_42 = tpu.memref_squeeze %dma_wait3A_41 : memref<1x128x128xf32, #tpu.memory_space<vmem>> -> memref<128x128xf32, #tpu.memory_space<vmem>>
    %dma_wait3A_43 = arith.constant 0 : i32
    %dma_wait3A_44 = arith.constant 0 : i32
    %dma_wait3A_45 = tpu.memref_slice %arg4[%dma_wait3A_43, %dma_wait3A_44] : memref<131072x128xf32, #tpu.memory_space<hbm>> -> memref<128x128xf32, #tpu.memory_space<hbm>>
    %dma_wait3A_46 = arith.constant 0 : i32
    %dma_wait3A_47 = arith.constant 0 : i32
    %dma_wait3A_48 = tpu.memref_slice %arg4[%dma_wait3A_46, %dma_wait3A_47] : memref<131072x128xf32, #tpu.memory_space<hbm>> -> memref<128x128xf32, #tpu.memory_space<hbm>>
    %dma_wait3A_49 = arith.constant 0 : i32
    %dma_wait3A_50 = arith.constant 0 : i32
    %dma_wait3A_51 = tpu.memref_slice %arg6[%dma_wait3A_38, %dma_wait3A_49, %dma_wait3A_50] : memref<4x128x128xf32, #tpu.memory_space<vmem>> -> memref<1x128x128xf32, #tpu.memory_space<vmem>>
    %dma_wait3A_52 = tpu.memref_squeeze %dma_wait3A_51 : memref<1x128x128xf32, #tpu.memory_space<vmem>> -> memref<128x128xf32, #tpu.memory_space<vmem>>
    tpu.wait_dma2 semaphore(%arg13 : memref<!tpu.dma_semaphore, #tpu.memory_space<semaphore_mem>>) src(%dma_wait3A_52 : memref<128x128xf32, #tpu.memory_space<vmem>>) dst(%dma_wait3A_48 : memref<128x128xf32, #tpu.memory_space<hbm>>)
    %dma_wait3A_53 = arith.constant 3 : i32
    %dma_wait3A_54 = arith.constant 0 : i32
    %dma_wait3A_55 = arith.constant 0 : i32
    %dma_wait3A_56 = tpu.memref_slice %arg6[%dma_wait3A_53, %dma_wait3A_54, %dma_wait3A_55] : memref<4x128x128xf32, #tpu.memory_space<vmem>> -> memref<1x128x128xf32, #tpu.memory_space<vmem>>
    %dma_wait3A_57 = tpu.memref_squeeze %dma_wait3A_56 : memref<1x128x128xf32, #tpu.memory_space<vmem>> -> memref<128x128xf32, #tpu.memory_space<vmem>>
    %dma_wait3A_58 = arith.constant 0 : i32
    %dma_wait3A_59 = arith.constant 0 : i32
    %dma_wait3A_60 = tpu.memref_slice %arg4[%dma_wait3A_58, %dma_wait3A_59] : memref<131072x128xf32, #tpu.memory_space<hbm>> -> memref<128x128xf32, #tpu.memory_space<hbm>>
    %dma_wait3A_61 = arith.constant 0 : i32
    %dma_wait3A_62 = arith.constant 0 : i32
    %dma_wait3A_63 = tpu.memref_slice %arg4[%dma_wait3A_61, %dma_wait3A_62] : memref<131072x128xf32, #tpu.memory_space<hbm>> -> memref<128x128xf32, #tpu.memory_space<hbm>>
    %dma_wait3A_64 = arith.constant 0 : i32
    %dma_wait3A_65 = arith.constant 0 : i32
    %dma_wait3A_66 = tpu.memref_slice %arg6[%dma_wait3A_53, %dma_wait3A_64, %dma_wait3A_65] : memref<4x128x128xf32, #tpu.memory_space<vmem>> -> memref<1x128x128xf32, #tpu.memory_space<vmem>>
    %dma_wait3A_67 = tpu.memref_squeeze %dma_wait3A_66 : memref<1x128x128xf32, #tpu.memory_space<vmem>> -> memref<128x128xf32, #tpu.memory_space<vmem>>
    tpu.wait_dma2 semaphore(%arg14 : memref<!tpu.dma_semaphore, #tpu.memory_space<semaphore_mem>>) src(%dma_wait3A_67 : memref<128x128xf32, #tpu.memory_space<vmem>>) dst(%dma_wait3A_63 : memref<128x128xf32, #tpu.memory_space<hbm>>)
    return
  }
}

</mosaic_0001>

<sc_bundles>
// kernel: kernel.3.cloned.1.call-start
scs
__scs_entry_jumppad:
0x0: {  	(pc) =	sbr.rel $0x88, $3  }
0x1: {  	(tag) =	ssettag $0x0;
	lr =	simm.s32 $0x1  }
0x2: {  	[smem:$0x3FA0] =	sst lr;
	_ =	strace $0xD0000000  }
0x3: {  	_ = 	snop  }
0x4: {  	_ = 	snop  }
0x5: {  	_ = 	snop  }
0x6: {  	_ = 	snop  }
0x7: {  	_ = 	snop  }
__scs_overlays_trampoline_lowered:
0x8: {  	[smem:$0x3FAF] =	sst s0  }
0x9: {  	[smem:$0x3FB0] =	sst s1  }
0xa: {  	[smem:$0x3FB1] =	sst s2  }
0xb: {  	[smem:$0x3FB2] =	sst s3  }
0xc: {  	[smem:$0x3FB3] =	sst s4  }
0xd: {  	[smem:$0x3FB4] =	sst s5  }
0xe: {  	[smem:$0x3FB5] =	sst s6  }
0xf: {  	[smem:$0x3FB6] =	sst s7  }
0x10: {  	[smem:$0x3FB7] =	sst s8  }
0x11: {  	[smem:$0x3FB8] =	sst s9;
	s0 =	simm.s32 @!p0 $0x0  }
0x12: {  	s1 =	sld [smem:$0x3F9E];
	s0 =	simm.s32 @p0 $0x1  }
0x13: {  	[smem:$0x3FB9] =	sst s0;
	s0 =	simm.s32 @!p1 $0x0  }
0x14: {  	s2 =	sld [smem:$0x3F9D];
	s0 =	simm.s32 @p1 $0x1  }
0x15: {  	[smem:$0x3FBA] =	sst s0;
	s0 =	simm.s32 @!p2 $0x0  }
0x16: {  	s3 =	sld [smem:$0x3FDB];
	s0 =	simm.s32 @p2 $0x1  }
0x17: {  	s4 =	simm.s32 $0x1BF5;
	[smem:$0x3FBC] =	sst s0  }
0x18: {  	s0 =	sld [smem:$0x3F9F];
	_ =	swait.ge [sflag:s4], $0x0  }
0x19: {  	s7 =	sld [smem:$0x3FA0]  }
0x1a: {  	s8 =	sadd.s32 $0xFFFFE003, lr  }
0x1b: {  	s9 =	sadd.s32 $0xFFFFFEF7, lr;
	s5 =	simm.s32 $0xFFFFFFFF;
	p2 =	slt.u32 s8, $0xFFFFF086  }
0x1c: {  	p1 =	slt.u32 s9, $0xF7A;
	s5 =	simm.s32 @!p2 $0x0  }
0x1d: {  	s5 =	simm.s32 @p1 $0x1;
	p0 =	seq.s32 s7, s2  }
0x1e: {  	s7 =	smul.u32 @!p0 $0xF7A, s2;
	p2 =	seq.s32 @!p0 s5, $0x0  }
0x1f: {  	s9 =	smul.u32 $0xF7A, s1;
	s8 =	simm.s32 @!p0 $0x1BF5;
	p2 =	por !p2, p0  }
0x20: {  	[sflag:s8] =	ssyncset.s32 @!p0 $0xFFFFF086;
	s6 =	sadd.s32 @!p0 s3, s7;
	s7 =	simm.s32 @!p0 $0x108  }
0x21: {  	s3 =	sadd.s32 s3, s9;
	s6 =	sadd.s32 @!p0 $0x88, s6;
	s7 =	simm.s32 @p2 $0x1082  }
0x22: {  	[simem:s7], [sflag:s8] =	dma.local @!p0 [hbm:s6], $0xF7A  }
0x23: {  	s9 =	sor.u32 $0xD0000000, s2;
	s6 =	simm.s32 $0x108;
	_ =	swait.ge @!p0 [sflag:s8], $0x0  }
0x24: {  	s3 =	sadd.s32 $0x88, s3;
	s6 =	simm.s32 @!p1 $0x1082;
	[sflag:s4] =	ssyncset.s32 $0xFFFFF086  }
0x25: {  	[simem:s6], [sflag:s4] =	dma.local [hbm:s3], $0xF7A  }
0x26: {  	[smem:$0x3FA0] =	sst s1;
	(tag) =	ssettag s2;
	_ =	strace s9  }
0x27: {  	s1 =	sld [smem:$0x3FB0]  }
0x28: {  	s2 =	sld [smem:$0x3FB1]  }
0x29: {  	s4 =	sld [smem:$0x3FB3]  }
0x2a: {  	p0 =	seq.s32 s5, $0x0;
	s5 =	sld [smem:$0x3FB4]  }
0x2b: {  	s6 =	sld [smem:$0x3FB5]  }
0x2c: {  	s7 =	sld [smem:$0x3FB6]  }
0x2d: {  	s3 =	simm.s32 $0x108;
	s8 =	sld [smem:$0x3FB7]  }
0x2e: {  	s3 =	simm.s32 @!p0 $0x1082;
	s9 =	sld [smem:$0x3FB8]  }
0x2f: {  	lr =	sadd.s32 s0, s3;
	s0 =	sld [smem:$0x3FAF]  }
0x30: {  	s3 =	sld [smem:$0x3FB2]  }
0x31: {  	[smem:$0x3FBB] =	sst s10  }
0x32: {  	s10 =	sld [smem:$0x3FB9];
	_ =	sdelay $0x3  }
0x33: {  	p0 =	seq.s32 s10, $0x1;
	s10 =	sld [smem:$0x3FBB];
	_ =	sdelay $0x3  }
0x34: {  	[smem:$0x3FBB] =	sst s10  }
0x35: {  	s10 =	sld [smem:$0x3FBA];
	_ =	sdelay $0x3  }
0x36: {  	p1 =	seq.s32 s10, $0x1;
	s10 =	sld [smem:$0x3FBB];
	_ =	sdelay $0x3  }
0x37: {  	[smem:$0x3FBB] =	sst s10  }
0x38: {  	s10 =	sld [smem:$0x3FBC]  }
0x39: {  	_ = 	snop;
	(pc) =	sbr.ind lr, $3  }
0x3a: {  	_ = 	snop  }
0x3b: {  	_ = 	snop  }
0x3c: {  	p2 =	seq.s32 s10, $0x1;
	s10 =	sld [smem:$0x3FBB]  }
0x3d: {  	_ =	shalt  }
0x3e: {  	_ =	shalt  }
0x3f: {  	_ =	shalt  }
0x40: {  	_ =	shalt  }
0x41: {  	_ =	shalt  }
0x42: {  	_ =	shalt  }
0x43: {  	_ =	shalt  }
0x44: {  	_ =	shalt  }
0x45: {  	_ =	shalt  }
0x46: {  	_ =	shalt  }
0x47: {  	_ =	shalt  }
0x48: {  	_ =	shalt  }
0x49: {  	_ =	shalt  }
0x4a: {  	_ =	shalt  }
0x4b: {  	_ =	shalt  }
0x4c: {  	_ =	shalt  }
0x4d: {  	_ =	shalt  }
0x4e: {  	_ =	shalt  }
0x4f: {  	_ =	shalt  }
0x50: {  	_ =	shalt  }
0x51: {  	_ =	shalt  }
0x52: {  	_ =	shalt  }
0x53: {  	_ =	shalt  }
0x54: {  	_ =	shalt  }
0x55: {  	_ =	shalt  }
0x56: {  	_ =	shalt  }
0x57: {  	_ =	shalt  }
0x58: {  	_ =	shalt  }
0x59: {  	_ =	shalt  }
0x5a: {  	_ =	shalt  }
0x5b: {  	_ =	shalt  }
0x5c: {  	_ =	shalt  }
0x5d: {  	_ =	shalt  }
0x5e: {  	_ =	shalt  }
0x5f: {  	_ =	shalt  }
0x60: {  	_ =	shalt  }
0x61: {  	_ =	shalt  }
0x62: {  	_ =	shalt  }
0x63: {  	_ =	shalt  }
0x64: {  	_ =	shalt  }
0x65: {  	_ =	shalt  }
0x66: {  	_ =	shalt  }
0x67: {  	_ =	shalt  }
0x68: {  	_ =	shalt  }
0x69: {  	_ =	shalt  }
0x6a: {  	_ =	shalt  }
0x6b: {  	_ =	shalt  }
0x6c: {  	_ =	shalt  }
0x6d: {  	_ =	shalt  }
0x6e: {  	_ =	shalt  }
0x6f: {  	_ =	shalt  }
0x70: {  	_ =	shalt  }
0x71: {  	_ =	shalt  }
0x72: {  	_ =	shalt  }
0x73: {  	_ =	shalt  }
0x74: {  	_ =	shalt  }
0x75: {  	_ =	shalt  }
0x76: {  	_ =	shalt  }
0x77: {  	_ =	shalt  }
0x78: {  	_ =	shalt  }
0x79: {  	_ =	shalt  }
0x7a: {  	_ =	shalt  }
0x7b: {  	_ =	shalt  }
0x7c: {  	_ =	shalt  }
0x7d: {  	_ =	shalt  }
0x7e: {  	_ =	shalt  }
0x7f: {  	_ =	shalt  }
0x80: {  	_ =	shalt  }
0x81: {  	_ =	shalt  }
0x82: {  	_ =	shalt  }
0x83: {  	_ =	shalt  }
0x84: {  	_ =	shalt  }
0x85: {  	_ =	shalt  }
0x86: {  	_ =	shalt  }
0x87: {  	_ =	shalt  }
.Lfunc_end0:
.L_simem_size_0:
called_computation_lowered:
.L_overlay_start_0:
0x88: {  	s2 =	sld [smem:$0x3FD9]  }
0x89: {  	s3 =	sld [smem:$0x3FFE];
	_ =	sdelay $0x1  }
0x8a: {  	s1 =	srdreg.scid  }
0x8b: {  	s0 =	sand.u32 $0x1, s1  }
0x8c: {  	s17 =	sshll.u32 s0, $0xA;
	s2 =	sadd.s32 s3, s2  }
0x8d: {  	s2 =	sadd.s32 s2, s17  }
0x8e: {  	[smem:$0x3FC7] =	sst s2  }
0x8f: {  	_ = 	snop  }
0x90: {  	s2 =	sld [smem:$0x3FC9]  }
0x91: {  	s18 =	sld [smem:$0x3FD0];
	(tm) =	ssettm $0x1  }
0x92: {  	s4 =	sld [smem:$0x3FFB];
	_ =	sdelay $0x3  }
0x93: {  	_ =	strace s4  }
0x94: {  	s4 =	sld [smem:$0x3FFC];
	_ =	sdelay $0x3  }
0x95: {  	_ =	strace s4  }
0x96: {  	s4 =	sld [smem:$0x3FFD];
	_ =	sdelay $0x3  }
0x97: {  	_ =	strace s4  }
0x98: {  	_ =	strace $0x8FFFFFFF  }
0x99: {  	s19 =	sld [smem:$0x3FDB];
	_ =	sdelay $0x1  }
0x9a: {  	s5 =	simm.s32 $_scs_section_size  }
0x9b: {  	s6 =	simm.s32 $_size__tile_overlayer_lowered;
	s7 =	simm.s32 $_tile_overlayer_lowered  }
0x9c: {  	s22 =	simm.s32 $0x1BFF;
	s21 =	sshll.u32 s7, $0x1;
	s4 =	sadd.s32 s5, s19  }
0x9d: {  	s8 =	simm.s32 $0x0;
	s20 =	sshll.u32 s6, $0x1;
	s6 =	sadd.s32 s21, s4  }
0x9e: {  	[timem:s8], [sflag:s22] =	dma.local [hbm:s6], s20  }
0x9f: {  	_ =	swait.ge [sflag:s22], s20  }
0xa0: {  	s5 =	ssub.s32 $0x0, s20;
	[sflag:s22] =	ssyncset.done $0x0  }
0xa1: {  	[sflag:s22] =	ssyncadd.s32 s5;
	_ =	sdelay $0x1  }
0xa2: {  	s23 =	simm.s32 $0x1B8B  }
0xa3: {  	_ =	swait.ge [sflag:s23], $0x1  }
0xa4: {  	[sflag:s23] =	ssyncset.done $0x0  }
0xa5: {  	s25 =	simm.s32 $0x1B8E;
	s24 =	sld [smem:$0x3FFE];
	[sflag:s23] =	ssyncadd.s32 $0xFFFFFFFF  }
0xa6: {  	s26 =	simm.s32 $execute0_lowered;
	[smem:$0x3FD2] =	sst s25  }
0xa7: {  	s6 =	sshll.u32 s26, $0x1;
	_ =	strace $0x80000046;
	[dreg:$0x1] =	wrdreg $0xFFFFFFFF  }
0xa8: {  	s28 =	simm.s32 $_size_execute0_lowered;
	s4 =	sadd.s32 s4, s6;
	[dreg:$0x0] =	wrdreg $0x0  }
0xa9: {  	s6 =	sshll.u32 s28, $0x1;
	[dreg:$0x2] =	wrdreg s4  }
0xaa: {  	[dreg:$0x3] =	wrdreg s6  }
0xab: {  	[dreg:$0x4] =	wrdreg $0xC0  }
0xac: {  	_ =	task [dreg:s8], $0x5FFFF  }
0xad: {  	[dreg:$0x1] =	wrdreg $0xFFFFFFFF  }
0xae: {  	[dreg:$0x0] =	wrdreg $0x60  }
0xaf: {  	[dreg:$0x2] =	wrdreg s2  }
0xb0: {  	[dreg:$0x3] =	wrdreg s24  }
0xb1: {  	[dreg:$0x4] =	wrdreg s18  }
0xb2: {  	[dreg:$0x5] =	wrdreg $0x9  }
0xb3: {  	_ =	task.clear_ibuf [dreg:s8], $0x6FFFF;
	_ =	strace $0x90000046  }
0xb4: {  	s29 =	simm.s32 $0x9;
	_ =	strace $0x80000048  }
0xb5: {  	_ =	swait.ge [sflag:s29], $0x1  }
0xb6: {  	[sflag:s29] =	ssyncadd.s32 $0xFFFFFFFF  }
0xb7: {  	_ =	strace $0x90000048  }
0xb8: {  	_ =	sfence  }
0xb9: {  	s30 =	sld [smem:$0x0];
	_ =	sdelay $0x2  }
0xba: {  	s31 =	sshll.u32 s1, $0xD;
	s1 =	sshrl.u32 s1, $0x2  }
0xbb: {  	s3 =	sand.u32 $0x4000, s31;
	s1 =	sadd.s32 s1, s30  }
0xbc: {  	s0 =	sor.u32 s3, s0;
	s1 =	sshll.u32 s1, $0x11  }
0xbd: {  	s0 =	sor.u32 s1, s0  }
0xbe: {  	s0 =	sadd.s32 $0x8F2B, s0  }
0xbf: {  	[sflag:s0] =	ssyncadd.remote.s32 $0x1  }
0xc0: {  	_ =	sfence.sel $0xFFFF  }
0xc1: {  	[dreg:$0x0] =	wrdreg $0xFFFFFFFF;
	(pc) =	sbr.abs _section_cstart, $3  }
0xc2: {  	[dreg:$0x1] =	wrdreg $0xFFFFFFFF  }
0xc3: {  	_ =	task.clear_ibuf [dreg:s8], $0x2FFFF;
	_ =	strace $0x9FFFFFFF  }
0xc4: {  	(tm) =	ssettm $0x7FFFFFFF  }
0xc5: {  	_ =	shalt  }
tec
execute0_lowered:
.L_overlay_start_1:
0x0: {  	(tag) =	ssettag $0x1  }
0x1: {  	s1 =	rddreg [dreg:$0x0]  }
0x2: {  	s4 =	rddreg [dreg:$0x1]  }
0x3: {  	s10 =	rddreg [dreg:$0x2];
	s2 =	srdreg.scid;
	s3 =	simm.s32 $0x0  }
0x4: {  	s12 =	simm.s32 $0x80;
	s13 =	simm.s32 $0x1000;
	s14 =	simm.s32 $0x5000  }
0x5: {  	s15 =	simm.s32 $0x100;
	s16 =	simm.s32 $0x9000;
	s17 =	simm.s32 $0x180  }
0x6: {  	s18 =	simm.s32 $0xD000;
	s19 =	simm.s32 $0x1;
	s20 =	simm.s32 $0x2  }
0x7: {  	s21 =	simm.s32 $0x3;
	s22 =	simm.s32 $0x4;
	s23 =	simm.s32 $0x5  }
0x8: {  	s24 =	simm.s32 $0x6;
	s25 =	simm.s32 $0x7;
	s26 =	simm.s32 $0x8  }
0x9: {  	s28 =	simm.s32 $0x0;
	s9 =	sand.u32 $0x1, s2;
	s2 =	stileid.u32  }
0xa: {  	[smem:$0x7FF] =	sst s3;
	s5 =	sshll.u32 s9, $0x4;
	s6 =	ssub.s32 $0x2, s9  }
0xb: {  	_ =	strace $0x80000047;
	s11 =	sshll.u32 s9, $0x14;
	s5 =	sor.u32 s2, s5  }
0xc: {  	s31 =	sshll.u32 s2, $0x10;
	s8 =	sshrl.u32 s6, $0x1;
	s7 =	sshll.u32 s5, $0x9  }
0xd: {  	s6 =	ssub.s32 s6, s8;
	s5 =	sshll.u32 s5, $0x10;
	s4 =	sadd.s32 s7, s4  }
0xe: {  	s5 =	sadd.s32 s10, s5;
	s6 =	smax.u32 s6, $0x1;
	s10 =	sadd.s32 s11, s10  }
0xf: {  	s11 =	simm.s32 $0x9;
	s4 =	sadd.s32 $0x400, s4;
	s7 =	sadd.s32 $0x800, s5  }
0x10: {  	s8 =	sadd.s32 $0x1000, s5;
	s9 =	sadd.s32 $0x1800, s5;
	s10 =	sadd.s32 s31, s10  }
.LBB2_1:
0x11: {  	[tilespmem:s3], [sflag:$0x9] =	stream.linear.gather [hbm4b:s4+s3], $0x1000, $0x38;
	[tilespmem:$0x11000] =	vst v63  }
0x12: {  	_ =	swait.ge [sflag:s11], $0x1000  }
0x13: {  	[sflag:s11] =	ssyncset.done $0x0  }
0x14: {  	[sflag:s11] =	ssyncadd.s32 $0xFFFFF000  }
0x15: {  	[tilespmem:s13], [sflag:$0x1] =	stream.indirect.gather [hbm4b:s1+s12], $0x80, s3, s12, $0xb8;
	[tilespmem:$0x11000] =	vst v63  }
0x16: {  	_ = 	snop  }
0x17: {  	[tilespmem:s14], [sflag:$0x2] =	stream.indirect.gather [hbm4b:s1+s12], $0x80, s12, s12, $0xb8;
	[tilespmem:$0x11000] =	vst v63  }
0x18: {  	_ = 	snop  }
0x19: {  	[tilespmem:s16], [sflag:$0x3] =	stream.indirect.gather [hbm4b:s1+s12], $0x80, s15, s12, $0xb8;
	[tilespmem:$0x11000] =	vst v63  }
0x1a: {  	_ = 	snop  }
0x1b: {  	[tilespmem:s18], [sflag:$0x4] =	stream.indirect.gather [hbm4b:s1+s12], $0x80, s17, s12, $0xb8;
	[tilespmem:$0x11000] =	vst v63  }
0x1c: {  	_ =	swait.ge [sflag:s19], $0x4000  }
0x1d: {  	[sflag:s19] =	ssyncset.done $0x0  }
0x1e: {  	[sflag:s19] =	ssyncadd.s32 $0xFFFFC000  }
0x1f: {  	[hbm4b:s5+s3] =	stream.linear.scatter [tilespmem:s13], [sflag:$0x5], $0x4000, $0x38;
	[tilespmem:$0x11000] =	vst v63  }
0x20: {  	_ =	swait.ge [sflag:s20], $0x4000  }
0x21: {  	[sflag:s20] =	ssyncset.done $0x0  }
0x22: {  	[sflag:s20] =	ssyncadd.s32 $0xFFFFC000  }
0x23: {  	[hbm4b:s7+s3] =	stream.linear.scatter [tilespmem:s14], [sflag:$0x6], $0x4000, $0x38;
	[tilespmem:$0x11000] =	vst v63  }
0x24: {  	_ =	swait.ge [sflag:s21], $0x4000  }
0x25: {  	[sflag:s21] =	ssyncset.done $0x0  }
0x26: {  	[sflag:s21] =	ssyncadd.s32 $0xFFFFC000  }
0x27: {  	[hbm4b:s8+s3] =	stream.linear.scatter [tilespmem:s16], [sflag:$0x7], $0x4000, $0x38;
	[tilespmem:$0x11000] =	vst v63  }
0x28: {  	_ =	swait.ge [sflag:s22], $0x4000  }
0x29: {  	[sflag:s22] =	ssyncset.done $0x0  }
0x2a: {  	[sflag:s22] =	ssyncadd.s32 $0xFFFFC000  }
0x2b: {  	[hbm4b:s9+s3] =	stream.linear.scatter [tilespmem:s18], [sflag:$0x8], $0x4000, $0x38;
	[tilespmem:$0x11000] =	vst v63  }
0x2c: {  	_ =	swait.ge [sflag:s23], $0x4000  }
0x2d: {  	[sflag:s23] =	ssyncset.done $0x0  }
0x2e: {  	s29 =	simm.s32 $0x200;
	[sflag:s23] =	ssyncadd.s32 $0xFFFFC000  }
0x2f: {  	[tilespmem:s13], [sflag:$0x1] =	stream.indirect.gather [hbm4b:s1+s12], $0x80, s29, s12, $0xb8;
	[tilespmem:$0x11000] =	vst v63  }
0x30: {  	_ =	swait.ge [sflag:s24], $0x4000  }
0x31: {  	[sflag:s24] =	ssyncset.done $0x0  }
0x32: {  	s29 =	simm.s32 $0x280;
	[sflag:s24] =	ssyncadd.s32 $0xFFFFC000  }
0x33: {  	[tilespmem:s14], [sflag:$0x2] =	stream.indirect.gather [hbm4b:s1+s12], $0x80, s29, s12, $0xb8;
	[tilespmem:$0x11000] =	vst v63  }
0x34: {  	_ =	swait.ge [sflag:s25], $0x4000  }
0x35: {  	[sflag:s25] =	ssyncset.done $0x0  }
0x36: {  	s29 =	simm.s32 $0x300;
	[sflag:s25] =	ssyncadd.s32 $0xFFFFC000  }
0x37: {  	[tilespmem:s16], [sflag:$0x3] =	stream.indirect.gather [hbm4b:s1+s12], $0x80, s29, s12, $0xb8;
	[tilespmem:$0x11000] =	vst v63  }
0x38: {  	_ =	swait.ge [sflag:s26], $0x4000  }
0x39: {  	[sflag:s26] =	ssyncset.done $0x0  }
0x3a: {  	s29 =	simm.s32 $0x380;
	[sflag:s26] =	ssyncadd.s32 $0xFFFFC000  }
0x3b: {  	[tilespmem:s18], [sflag:$0x4] =	stream.indirect.gather [hbm4b:s1+s12], $0x80, s29, s12, $0xb8;
	[tilespmem:$0x11000] =	vst v63  }
0x3c: {  	_ =	swait.ge [sflag:s19], $0x4000  }
0x3d: {  	s30 =	sadd.s32 $0x0, s10;
	[sflag:s19] =	ssyncset.done $0x0  }
0x3e: {  	s29 =	sadd.s32 $0x2000, s30;
	[sflag:s19] =	ssyncadd.s32 $0xFFFFC000  }
0x3f: {  	[hbm4b:s29+s3] =	stream.linear.scatter [tilespmem:s13], [sflag:$0x5], $0x4000, $0x38;
	[tilespmem:$0x11000] =	vst v63  }
0x40: {  	_ =	swait.ge [sflag:s20], $0x4000  }
0x41: {  	[sflag:s20] =	ssyncset.done $0x0  }
0x42: {  	s29 =	sadd.s32 $0x2800, s30;
	[sflag:s20] =	ssyncadd.s32 $0xFFFFC000  }
0x43: {  	[hbm4b:s29+s3] =	stream.linear.scatter [tilespmem:s14], [sflag:$0x6], $0x4000, $0x38;
	[tilespmem:$0x11000] =	vst v63  }
0x44: {  	_ =	swait.ge [sflag:s21], $0x4000  }
0x45: {  	[sflag:s21] =	ssyncset.done $0x0  }
0x46: {  	s29 =	sadd.s32 $0x3000, s30;
	[sflag:s21] =	ssyncadd.s32 $0xFFFFC000  }
0x47: {  	[hbm4b:s29+s3] =	stream.linear.scatter [tilespmem:s16], [sflag:$0x7], $0x4000, $0x38;
	[tilespmem:$0x11000] =	vst v63  }
0x48: {  	_ =	swait.ge [sflag:s22], $0x4000  }
0x49: {  	s31 =	sadd.s32 $0x3800, s30;
	[sflag:s22] =	ssyncset.done $0x0  }
0x4a: {  	s30 =	simm.s32 $0x400;
	s29 =	simm.s32 $0x2000;
	[sflag:s22] =	ssyncadd.s32 $0xFFFFC000  }
.LBB2_2:
0x4b: {  	[hbm4b:s31+s3] =	stream.linear.scatter [tilespmem:s18], [sflag:$0x8], $0x4000, $0x38;
	[tilespmem:$0x11000] =	vst v63  }
0x4c: {  	s31 =	smov.u32 s29  }
0x4d: {  	p0 =	sne.s32 s29, $0xC000;
	s29 =	sadd.s32 $0x2000, s29;
	_ =	swait.ge [sflag:s23], $0x4000  }
0x4e: {  	[sflag:s23] =	ssyncset.done $0x0  }
0x4f: {  	[sflag:s23] =	ssyncadd.s32 $0xFFFFC000  }
0x50: {  	[tilespmem:s13], [sflag:$0x1] =	stream.indirect.gather [hbm4b:s1+s12], $0x80, s30, s12, $0xb8;
	[tilespmem:$0x11000] =	vst v63  }
0x51: {  	_ =	swait.ge [sflag:s24], $0x4000  }
0x52: {  	[sflag:s24] =	ssyncset.done $0x0  }
0x53: {  	s0 =	sadd.s32 $0x80, s30;
	[sflag:s24] =	ssyncadd.s32 $0xFFFFC000  }
0x54: {  	[tilespmem:s14], [sflag:$0x2] =	stream.indirect.gather [hbm4b:s1+s12], $0x80, s0, s12, $0xb8;
	[tilespmem:$0x11000] =	vst v63  }
0x55: {  	_ =	swait.ge [sflag:s25], $0x4000  }
0x56: {  	[sflag:s25] =	ssyncset.done $0x0  }
0x57: {  	s0 =	sadd.s32 $0x100, s30;
	[sflag:s25] =	ssyncadd.s32 $0xFFFFC000  }
0x58: {  	[tilespmem:s16], [sflag:$0x3] =	stream.indirect.gather [hbm4b:s1+s12], $0x80, s0, s12, $0xb8;
	[tilespmem:$0x11000] =	vst v63  }
0x59: {  	_ =	swait.ge [sflag:s26], $0x4000  }
0x5a: {  	[sflag:s26] =	ssyncset.done $0x0  }
0x5b: {  	s0 =	sadd.s32 $0x180, s30;
	[sflag:s26] =	ssyncadd.s32 $0xFFFFC000  }
0x5c: {  	[tilespmem:s18], [sflag:$0x4] =	stream.indirect.gather [hbm4b:s1+s12], $0x80, s0, s12, $0xb8;
	[tilespmem:$0x11000] =	vst v63  }
0x5d: {  	_ =	swait.ge [sflag:s19], $0x4000  }
0x5e: {  	s0 =	sadd.s32 s31, s10;
	[sflag:s19] =	ssyncset.done $0x0  }
0x5f: {  	s31 =	sadd.s32 $0x2000, s0;
	[sflag:s19] =	ssyncadd.s32 $0xFFFFC000  }
0x60: {  	[hbm4b:s31+s3] =	stream.linear.scatter [tilespmem:s13], [sflag:$0x5], $0x4000, $0x38;
	[tilespmem:$0x11000] =	vst v63  }
0x61: {  	_ =	swait.ge [sflag:s20], $0x4000  }
0x62: {  	[sflag:s20] =	ssyncset.done $0x0  }
0x63: {  	s31 =	sadd.s32 $0x2800, s0;
	[sflag:s20] =	ssyncadd.s32 $0xFFFFC000  }
0x64: {  	[hbm4b:s31+s3] =	stream.linear.scatter [tilespmem:s14], [sflag:$0x6], $0x4000, $0x38;
	[tilespmem:$0x11000] =	vst v63  }
0x65: {  	_ =	swait.ge [sflag:s21], $0x4000  }
0x66: {  	[sflag:s21] =	ssyncset.done $0x0  }
.Ltmp0:
0x67: {  	s31 =	sadd.s32 $0x3000, s0;
	[sflag:s21] =	ssyncadd.s32 $0xFFFFC000;
	(pc) =	sbr.rel @p0 .LBB2_2-.Ltmp0, $4  }
0x68: {  	[hbm4b:s31+s3] =	stream.linear.scatter [tilespmem:s16], [sflag:$0x7], $0x4000, $0x38;
	[tilespmem:$0x11000] =	vst v63  }
0x69: {  	_ =	swait.ge [sflag:s22], $0x4000  }
0x6a: {  	[sflag:s22] =	ssyncset.done $0x0  }
0x6b: {  	s30 =	sadd.s32 $0x200, s30;
	s31 =	sadd.s32 $0x3800, s0;
	[sflag:s22] =	ssyncadd.s32 $0xFFFFC000  }
0x6c: {  	[hbm4b:s31+s3] =	stream.linear.scatter [tilespmem:s18], [sflag:$0x8], $0x4000, $0x38;
	[tilespmem:$0x11000] =	vst v63  }
0x6d: {  	_ =	swait.ge [sflag:s23], $0x4000  }
0x6e: {  	[sflag:s23] =	ssyncset.done $0x0  }
0x6f: {  	[sflag:s23] =	ssyncadd.s32 $0xFFFFC000  }
0x70: {  	_ =	swait.ge [sflag:s24], $0x4000  }
0x71: {  	[sflag:s24] =	ssyncset.done $0x0  }
0x72: {  	s28 =	sadd.s32 $0x1, s28;
	[sflag:s24] =	ssyncadd.s32 $0xFFFFC000  }
0x73: {  	p0 =	sne.s32 s28, s6;
	_ =	swait.ge [sflag:s25], $0x4000  }
.Ltmp1:
0x74: {  	[sflag:s25] =	ssyncset.done $0x0;
	(pc) =	sbr.rel @p0 .LBB2_1-.Ltmp1, $4  }
0x75: {  	[sflag:s25] =	ssyncadd.s32 $0xFFFFC000  }
0x76: {  	_ =	swait.ge [sflag:s26], $0x4000  }
0x77: {  	[sflag:s26] =	ssyncset.done $0x0  }
0x78: {  	[sflag:s26] =	ssyncadd.s32 $0xFFFFC000  }
0x79: {  	_ =	sfence.sel $0x180000  }
0x7a: {  	[bflag:$0x0] =	sbarrier.arrive $0xFFFF  }
0x7b: {  	_ =	strace $0x90000047  }
0x7c: {  	[bflag:$0x2] =	sbarrier.arrive $0xFFFF  }
0x7d: {  	p0 =	sne.s32 s2, $0x0;
	s0 =	rddreg [dreg:$0x3]  }
0x7e: {  	s0 =	sadd.s32 @!p0 $0x100000, s0  }
0x7f: {  	[sflag:s0] =	ssyncadd.tile.s32 @!p0 $0x1;
	_ =	shalt  }
.Lfunc_end2:
_tile_overlayer_lowered:
.L_overlay_start_2:
0x80: {  	(tag) =	ssettag $0x2  }
0x81: {  	s0 =	rddreg [dreg:$0x0];
	s2 =	stileid.u32  }
0x82: {  	s1 =	rddreg [dreg:$0x1];
	p0 =	sne.s32 s2, $0x0  }
0x83: {  	s3 =	rddreg [dreg:$0x2];
	[bflag:$0x3] =	sbarrier.arrive $0xFFFF;
	s2 =	simm.s32 @!p0 $0x1C09  }
0x84: {  	[timem:s3], [sflag:s2] =	dma.local @!p0 [hbm:s0], s1  }
0x85: {  	s0 =	simm.s32 @!p0 $0x9  }
0x86: {  	_ =	swait.ge @!p0 [sflag:s0], s1  }
0x87: {  	s1 =	ssub.s32 @!p0 $0x0, s1;
	[sflag:s0] =	ssyncset.done @!p0 $0x0  }
0x88: {  	[sflag:s0] =	ssyncadd.s32 @!p0 s1  }
0x89: {  	[bflag:$0x3] =	sbarrier.arrive $0xFFFF  }
0x8a: {  	_ =	shalt  }

</sc_bundles>
